<compile_context>
chip_gen: v7x
topology: tpu7x:2x2x1
jax: 0.10.2.dev20260603
libtpu: 0.0.44.dev20260713+nightly
codegen_flags: <defaults>
</compile_context>

<pallas_src>
import functools

import jax
import jax.numpy as jnp
from jax import lax
from jax.experimental import pallas as pl
from jax.experimental.pallas import tpu as pltpu
from jax.experimental.pallas import tpu_sc as plsc

TIMESTEPS = 1000
BATCH = 16384
LANES = 16


def _lookup_body(chunk, t_hbm, gamma_hbm, out_hbm, table_v, buf_v, sem):
    wid = lax.axis_index("s")
    base = wid * chunk
    tbl_copy = pltpu.async_copy(gamma_hbm, table_v, sem)
    t_copy = pltpu.async_copy(t_hbm.at[pl.ds(base, chunk)], buf_v, sem)
    tbl_copy.wait()
    t_copy.wait()

    @plsc.parallel_loop(0, chunk, step=LANES, unroll=8)
    def _body(off):
        tv = buf_v[pl.ds(off, LANES)]
        x = tv * jnp.float32(TIMESTEPS)
        xi = x.astype(jnp.int32)
        frac = x - xi.astype(jnp.float32)
        up = (frac > 0.5) | ((frac == 0.5) & ((xi & 1) == 1))
        idx = jnp.where(up, xi + 1, xi)
        buf_v[pl.ds(off, LANES)] = plsc.load_gather(table_v, [idx])

    pltpu.sync_copy(buf_v, out_hbm.at[pl.ds(base, chunk)])


def kernel(t, gamma):
    info = plsc.get_sparse_core_info()
    nw = info.num_subcores
    chunk = BATCH // nw
    table = gamma.shape[0]

    mesh = plsc.VectorSubcoreMesh(core_axis_name="c", subcore_axis_name="s",
                                  num_cores=1)
    k = functools.partial(
        pl.kernel,
        mesh=mesh,
        out_type=jax.ShapeDtypeStruct((BATCH,), jnp.float32),
        scratch_types=[
            pltpu.VMEM((table,), jnp.float32),
            pltpu.VMEM((chunk,), jnp.float32),
            pltpu.SemaphoreType.DMA,
        ],
        compiler_params=pltpu.CompilerParams(needs_layout_passes=False),
    )(functools.partial(_lookup_body, chunk))
    return k(t, gamma)

# --- scband reference (transcript-rebuilt; emitter-appended) ---
"""Pipeline reference for scband-fixed-noise-schedule-79482664780225 (READ-ONLY COPY).

The authoritative reference and input builder live on the scoring server;
editing this copy changes nothing except your own understanding.
"""

import jax, jax.numpy as jnp
import numpy as np

TIMESTEPS = 1000
PRECISION = 0.008
BATCH = 16384


def _clip_noise_schedule(alphas_cumprod, clip_margin=0.001):
    alphas_cumprod = np.concatenate([np.ones(1), alphas_cumprod], axis=0)
    alphas = alphas_cumprod[1:] / alphas_cumprod[:-1]
    alphas = np.clip(alphas, a_min=clip_margin, a_max=1 - clip_margin)
    return np.cumprod(alphas, axis=0)


def _cosine_beta_schedule(T, s=0.008):
    t = np.linspace(1, T, T)
    f = np.cos((t / T + s) / (1 + s) * np.pi * 0.5) ** 2
    alphas_cumprod = f / f[0]
    return _clip_noise_schedule(alphas_cumprod, clip_margin=0.001)


def setup_inputs(seed: int = 0) -> dict:
    key = jax.random.key(seed)
    t = jax.random.uniform(key, (BATCH,), dtype=jnp.float32)
    alphas_cumprod = _cosine_beta_schedule(TIMESTEPS, s=PRECISION)
    gamma = np.log(1.0 - alphas_cumprod) - np.log(alphas_cumprod)
    gamma = np.concatenate([np.array([-np.inf]), gamma], axis=0).astype(np.float32)
    return {"t": t, "gamma": jnp.asarray(gamma)}


def reference(t, gamma):
    # t_int = round(t * timesteps); gamma lookup (gather)
    t_int = jnp.round(t * TIMESTEPS).astype(jnp.int32)
    return jnp.take(gamma, t_int, axis=0)

if __name__ == "__main__":
    import jax
    _d = setup_inputs()
    print(jax.jit(kernel)(*tuple(_d.values())))

</pallas_src>

<mosaic_0001>
#map = affine_map<(d0, d1) -> (0)>
module attributes {stable_mosaic.version = 14 : i64} {
  func.func @_lookup_body(%arg0: i32, %arg1: i32, %arg2: memref<16384xf32, #tpu.memory_space<hbm>>, %arg3: memref<1001xf32, #tpu.memory_space<hbm>>, %arg4: memref<16384xf32, #tpu.memory_space<hbm>>, %arg5: memref<1001xf32, #tpu.memory_space<vmem>>, %arg6: memref<1024xf32, #tpu.memory_space<vmem>>, %arg7: memref<!tpu.dma_semaphore, #tpu.memory_space<semaphore_mem>>) attributes {dimension_semantics = [#tpu.dimension_semantics<core_parallel>, #tpu.dimension_semantics<subcore_parallel>], iteration_bounds = array<i64: 1, 16>, scalar_prefetch = 0 : i64, scratch_operands = 3 : i64, tpu.core_type = #tpu.core_type<sc_vector_subcore>, window_params = [{transform_indices = #map}, {transform_indices = #map}, {transform_indices = #map}]} {
    %mul3A = arith.constant 1024 : i32
    %mul3A_0 = arith.muli %arg1, %mul3A : i32
    tpu.enqueue_dma source(%arg3 : memref<1001xf32, #tpu.memory_space<hbm>>) target(%arg5 : memref<1001xf32, #tpu.memory_space<vmem>>) target_semaphore(%arg7 : memref<!tpu.dma_semaphore, #tpu.memory_space<semaphore_mem>>)
    %dma_start3A = tpu.memref_slice %arg2[%mul3A_0] : memref<16384xf32, #tpu.memory_space<hbm>> -> memref<1024xf32, #tpu.memory_space<hbm>>
    %dma_start3A_1 = tpu.memref_slice %arg2[%mul3A_0] : memref<16384xf32, #tpu.memory_space<hbm>> -> memref<1024xf32, #tpu.memory_space<hbm>>
    tpu.enqueue_dma source(%dma_start3A_1 : memref<1024xf32, #tpu.memory_space<hbm>>) target(%arg6 : memref<1024xf32, #tpu.memory_space<vmem>>) target_semaphore(%arg7 : memref<!tpu.dma_semaphore, #tpu.memory_space<semaphore_mem>>)
    tpu.wait_dma2 semaphore(%arg7 : memref<!tpu.dma_semaphore, #tpu.memory_space<semaphore_mem>>) src(%arg3 : memref<1001xf32, #tpu.memory_space<hbm>>) dst(%arg5 : memref<1001xf32, #tpu.memory_space<vmem>>)
    %dma_wait3A = tpu.memref_slice %arg2[%mul3A_0] : memref<16384xf32, #tpu.memory_space<hbm>> -> memref<1024xf32, #tpu.memory_space<hbm>>
    %dma_wait3A_2 = tpu.memref_slice %arg2[%mul3A_0] : memref<16384xf32, #tpu.memory_space<hbm>> -> memref<1024xf32, #tpu.memory_space<hbm>>
    tpu.wait_dma2 semaphore(%arg7 : memref<!tpu.dma_semaphore, #tpu.memory_space<semaphore_mem>>) src(%dma_wait3A_2 : memref<1024xf32, #tpu.memory_space<hbm>>) dst(%arg6 : memref<1024xf32, #tpu.memory_space<vmem>>)
    %parallel_loop3A = arith.constant 0 : i32
    %parallel_loop3A_3 = arith.constant 1024 : i32
    %parallel_loop3A_4 = arith.constant 16 : i32
    scf.for %parallel_loop3A_5 = %parallel_loop3A to %parallel_loop3A_3 step %parallel_loop3A_4  : i32 {
      %parallel_loop3A_6 = arith.index_cast %parallel_loop3A_5 : i32 to index
      %parallel_loop3A_7 = tpu.vector_load %arg6[%parallel_loop3A_6] {strides = array<i32>} : memref<1024xf32, #tpu.memory_space<vmem>>, vector<16xf32>,
      %parallel_loop3A_8 = arith.constant 1.000000e+03 : f32
      %parallel_loop3A_9 = vector.broadcast %parallel_loop3A_8 : f32 to vector<16xf32>
      %parallel_loop3A_10 = arith.mulf %parallel_loop3A_7, %parallel_loop3A_9 : vector<16xf32>
      %parallel_loop3A_11 = arith.fptosi %parallel_loop3A_10 : vector<16xf32> to vector<16xi32>
      %parallel_loop3A_12 = arith.sitofp %parallel_loop3A_11 : vector<16xi32> to vector<16xf32>
      %parallel_loop3A_13 = arith.subf %parallel_loop3A_10, %parallel_loop3A_12 : vector<16xf32>
      %parallel_loop3A_14 = arith.constant 5.000000e-01 : f32
      %parallel_loop3A_15 = vector.broadcast %parallel_loop3A_14 : f32 to vector<16xf32>
      %parallel_loop3A_16 = arith.cmpf ogt, %parallel_loop3A_13, %parallel_loop3A_15 : vector<16xf32>
      %parallel_loop3A_17 = arith.constant 5.000000e-01 : f32
      %parallel_loop3A_18 = vector.broadcast %parallel_loop3A_17 : f32 to vector<16xf32>
      %parallel_loop3A_19 = arith.cmpf oeq, %parallel_loop3A_13, %parallel_loop3A_18 : vector<16xf32>
      %parallel_loop3A_20 = arith.constant 1 : i32
      %parallel_loop3A_21 = vector.broadcast %parallel_loop3A_20 : i32 to vector<16xi32>
      %parallel_loop3A_22 = arith.andi %parallel_loop3A_11, %parallel_loop3A_21 : vector<16xi32>
      %parallel_loop3A_23 = arith.constant 1 : i32
      %parallel_loop3A_24 = vector.broadcast %parallel_loop3A_23 : i32 to vector<16xi32>
      %parallel_loop3A_25 = arith.cmpi eq, %parallel_loop3A_22, %parallel_loop3A_24 : vector<16xi32>
      %parallel_loop3A_26 = arith.andi %parallel_loop3A_19, %parallel_loop3A_25 : vector<16xi1>
      %parallel_loop3A_27 = arith.ori %parallel_loop3A_16, %parallel_loop3A_26 : vector<16xi1>
      %parallel_loop3A_28 = arith.constant 1 : i32
      %parallel_loop3A_29 = vector.broadcast %parallel_loop3A_28 : i32 to vector<16xi32>
      %parallel_loop3A_30 = arith.addi %parallel_loop3A_11, %parallel_loop3A_29 : vector<16xi32>
      %parallel_loop3A_31 = arith.select %parallel_loop3A_27, %parallel_loop3A_30, %parallel_loop3A_11 : vector<16xi1>, vector<16xi32>
      %parallel_loop3A_32 = tpu.vector_load_idx %arg5[%parallel_loop3A_31] : memref<1001xf32, #tpu.memory_space<vmem>>[vector<16xi32>], vector<16xf32>,
      %parallel_loop3A_33 = arith.index_cast %parallel_loop3A_5 : i32 to index
      %parallel_loop3A_34 = tpu.vector_load %arg6[%parallel_loop3A_33] {strides = array<i32>} : memref<1024xf32, #tpu.memory_space<vmem>>, vector<16xf32>,
      tpu.vector_store %arg6[%parallel_loop3A_33], %parallel_loop3A_32 {strides = array<i32>} : memref<1024xf32, #tpu.memory_space<vmem>>, vector<16xf32>,
    } {sc.loop_unroll_factor = 8 : i64, sc.parallel_access}
    "tpu.region"() ({
      %run_scoped3A = tpu.sem_alloc : memref<!tpu.dma_semaphore, #tpu.memory_space<semaphore_mem>>
      %dma_start3A_5 = tpu.memref_slice %arg4[%mul3A_0] : memref<16384xf32, #tpu.memory_space<hbm>> -> memref<1024xf32, #tpu.memory_space<hbm>>
      %dma_start3A_6 = tpu.memref_slice %arg4[%mul3A_0] : memref<16384xf32, #tpu.memory_space<hbm>> -> memref<1024xf32, #tpu.memory_space<hbm>>
      tpu.enqueue_dma source(%arg6 : memref<1024xf32, #tpu.memory_space<vmem>>) target(%dma_start3A_6 : memref<1024xf32, #tpu.memory_space<hbm>>) target_semaphore(%run_scoped3A : memref<!tpu.dma_semaphore, #tpu.memory_space<semaphore_mem>>)
      %dma_wait3A_7 = tpu.memref_slice %arg4[%mul3A_0] : memref<16384xf32, #tpu.memory_space<hbm>> -> memref<1024xf32, #tpu.memory_space<hbm>>
      %dma_wait3A_8 = tpu.memref_slice %arg4[%mul3A_0] : memref<16384xf32, #tpu.memory_space<hbm>> -> memref<1024xf32, #tpu.memory_space<hbm>>
      tpu.wait_dma2 semaphore(%run_scoped3A : memref<!tpu.dma_semaphore, #tpu.memory_space<semaphore_mem>>) src(%arg6 : memref<1024xf32, #tpu.memory_space<vmem>>) dst(%dma_wait3A_8 : memref<1024xf32, #tpu.memory_space<hbm>>)
      tpu.yield
    }) : () -> ()
    return
  }
}

</mosaic_0001>

<sc_bundles>
// kernel: kernel.3.cloned.1.call-start
scs
__scs_entry_jumppad:
0x0: {  	(pc) =	sbr.rel $0x88, $3  }
0x1: {  	(tag) =	ssettag $0x0;
	lr =	simm.s32 $0x1  }
0x2: {  	[smem:$0x3F9F] =	sst lr;
	_ =	strace $0xD0000000  }
0x3: {  	_ = 	snop  }
0x4: {  	_ = 	snop  }
0x5: {  	_ = 	snop  }
0x6: {  	_ = 	snop  }
0x7: {  	_ = 	snop  }
__scs_overlays_trampoline_lowered:
0x8: {  	[smem:$0x3FAE] =	sst s0  }
0x9: {  	[smem:$0x3FAF] =	sst s1  }
0xa: {  	[smem:$0x3FB0] =	sst s2  }
0xb: {  	[smem:$0x3FB1] =	sst s3  }
0xc: {  	[smem:$0x3FB2] =	sst s4  }
0xd: {  	[smem:$0x3FB3] =	sst s5  }
0xe: {  	[smem:$0x3FB4] =	sst s6  }
0xf: {  	[smem:$0x3FB5] =	sst s7  }
0x10: {  	[smem:$0x3FB6] =	sst s8  }
0x11: {  	[smem:$0x3FB7] =	sst s9;
	s0 =	simm.s32 @!p0 $0x0  }
0x12: {  	s1 =	sld [smem:$0x3F9D];
	s0 =	simm.s32 @p0 $0x1  }
0x13: {  	[smem:$0x3FB8] =	sst s0;
	s0 =	simm.s32 @!p1 $0x0  }
0x14: {  	s2 =	sld [smem:$0x3F9C];
	s0 =	simm.s32 @p1 $0x1  }
0x15: {  	[smem:$0x3FB9] =	sst s0;
	s0 =	simm.s32 @!p2 $0x0  }
0x16: {  	s3 =	sld [smem:$0x3FDB];
	s0 =	simm.s32 @p2 $0x1  }
0x17: {  	s4 =	simm.s32 $0x1BF5;
	[smem:$0x3FBB] =	sst s0  }
0x18: {  	s0 =	sld [smem:$0x3F9E];
	_ =	swait.ge [sflag:s4], $0x0  }
0x19: {  	s7 =	sld [smem:$0x3F9F]  }
0x1a: {  	s8 =	sadd.s32 $0xFFFFE003, lr  }
0x1b: {  	s9 =	sadd.s32 $0xFFFFFEF7, lr;
	s5 =	simm.s32 $0xFFFFFFFF;
	p2 =	slt.u32 s8, $0xFFFFF086  }
0x1c: {  	p1 =	slt.u32 s9, $0xF7A;
	s5 =	simm.s32 @!p2 $0x0  }
0x1d: {  	s5 =	simm.s32 @p1 $0x1;
	p0 =	seq.s32 s7, s2  }
0x1e: {  	s7 =	smul.u32 @!p0 $0xF7A, s2;
	p2 =	seq.s32 @!p0 s5, $0x0  }
0x1f: {  	s9 =	smul.u32 $0xF7A, s1;
	s8 =	simm.s32 @!p0 $0x1BF5;
	p2 =	por !p2, p0  }
0x20: {  	[sflag:s8] =	ssyncset.s32 @!p0 $0xFFFFF086;
	s6 =	sadd.s32 @!p0 s3, s7;
	s7 =	simm.s32 @!p0 $0x108  }
0x21: {  	s3 =	sadd.s32 s3, s9;
	s6 =	sadd.s32 @!p0 $0x88, s6;
	s7 =	simm.s32 @p2 $0x1082  }
0x22: {  	[simem:s7], [sflag:s8] =	dma.local @!p0 [hbm:s6], $0xF7A  }
0x23: {  	s9 =	sor.u32 $0xD0000000, s2;
	s6 =	simm.s32 $0x108;
	_ =	swait.ge @!p0 [sflag:s8], $0x0  }
0x24: {  	s3 =	sadd.s32 $0x88, s3;
	s6 =	simm.s32 @!p1 $0x1082;
	[sflag:s4] =	ssyncset.s32 $0xFFFFF086  }
0x25: {  	[simem:s6], [sflag:s4] =	dma.local [hbm:s3], $0xF7A  }
0x26: {  	[smem:$0x3F9F] =	sst s1;
	(tag) =	ssettag s2;
	_ =	strace s9  }
0x27: {  	s1 =	sld [smem:$0x3FAF]  }
0x28: {  	s2 =	sld [smem:$0x3FB0]  }
0x29: {  	s4 =	sld [smem:$0x3FB2]  }
0x2a: {  	p0 =	seq.s32 s5, $0x0;
	s5 =	sld [smem:$0x3FB3]  }
0x2b: {  	s6 =	sld [smem:$0x3FB4]  }
0x2c: {  	s7 =	sld [smem:$0x3FB5]  }
0x2d: {  	s3 =	simm.s32 $0x108;
	s8 =	sld [smem:$0x3FB6]  }
0x2e: {  	s3 =	simm.s32 @!p0 $0x1082;
	s9 =	sld [smem:$0x3FB7]  }
0x2f: {  	lr =	sadd.s32 s0, s3;
	s0 =	sld [smem:$0x3FAE]  }
0x30: {  	s3 =	sld [smem:$0x3FB1]  }
0x31: {  	[smem:$0x3FBA] =	sst s10  }
0x32: {  	s10 =	sld [smem:$0x3FB8];
	_ =	sdelay $0x3  }
0x33: {  	p0 =	seq.s32 s10, $0x1;
	s10 =	sld [smem:$0x3FBA];
	_ =	sdelay $0x3  }
0x34: {  	[smem:$0x3FBA] =	sst s10  }
0x35: {  	s10 =	sld [smem:$0x3FB9];
	_ =	sdelay $0x3  }
0x36: {  	p1 =	seq.s32 s10, $0x1;
	s10 =	sld [smem:$0x3FBA];
	_ =	sdelay $0x3  }
0x37: {  	[smem:$0x3FBA] =	sst s10  }
0x38: {  	s10 =	sld [smem:$0x3FBB]  }
0x39: {  	_ = 	snop;
	(pc) =	sbr.ind lr, $3  }
0x3a: {  	_ = 	snop  }
0x3b: {  	_ = 	snop  }
0x3c: {  	p2 =	seq.s32 s10, $0x1;
	s10 =	sld [smem:$0x3FBA]  }
0x3d: {  	_ =	shalt  }
0x3e: {  	_ =	shalt  }
0x3f: {  	_ =	shalt  }
0x40: {  	_ =	shalt  }
0x41: {  	_ =	shalt  }
0x42: {  	_ =	shalt  }
0x43: {  	_ =	shalt  }
0x44: {  	_ =	shalt  }
0x45: {  	_ =	shalt  }
0x46: {  	_ =	shalt  }
0x47: {  	_ =	shalt  }
0x48: {  	_ =	shalt  }
0x49: {  	_ =	shalt  }
0x4a: {  	_ =	shalt  }
0x4b: {  	_ =	shalt  }
0x4c: {  	_ =	shalt  }
0x4d: {  	_ =	shalt  }
0x4e: {  	_ =	shalt  }
0x4f: {  	_ =	shalt  }
0x50: {  	_ =	shalt  }
0x51: {  	_ =	shalt  }
0x52: {  	_ =	shalt  }
0x53: {  	_ =	shalt  }
0x54: {  	_ =	shalt  }
0x55: {  	_ =	shalt  }
0x56: {  	_ =	shalt  }
0x57: {  	_ =	shalt  }
0x58: {  	_ =	shalt  }
0x59: {  	_ =	shalt  }
0x5a: {  	_ =	shalt  }
0x5b: {  	_ =	shalt  }
0x5c: {  	_ =	shalt  }
0x5d: {  	_ =	shalt  }
0x5e: {  	_ =	shalt  }
0x5f: {  	_ =	shalt  }
0x60: {  	_ =	shalt  }
0x61: {  	_ =	shalt  }
0x62: {  	_ =	shalt  }
0x63: {  	_ =	shalt  }
0x64: {  	_ =	shalt  }
0x65: {  	_ =	shalt  }
0x66: {  	_ =	shalt  }
0x67: {  	_ =	shalt  }
0x68: {  	_ =	shalt  }
0x69: {  	_ =	shalt  }
0x6a: {  	_ =	shalt  }
0x6b: {  	_ =	shalt  }
0x6c: {  	_ =	shalt  }
0x6d: {  	_ =	shalt  }
0x6e: {  	_ =	shalt  }
0x6f: {  	_ =	shalt  }
0x70: {  	_ =	shalt  }
0x71: {  	_ =	shalt  }
0x72: {  	_ =	shalt  }
0x73: {  	_ =	shalt  }
0x74: {  	_ =	shalt  }
0x75: {  	_ =	shalt  }
0x76: {  	_ =	shalt  }
0x77: {  	_ =	shalt  }
0x78: {  	_ =	shalt  }
0x79: {  	_ =	shalt  }
0x7a: {  	_ =	shalt  }
0x7b: {  	_ =	shalt  }
0x7c: {  	_ =	shalt  }
0x7d: {  	_ =	shalt  }
0x7e: {  	_ =	shalt  }
0x7f: {  	_ =	shalt  }
0x80: {  	_ =	shalt  }
0x81: {  	_ =	shalt  }
0x82: {  	_ =	shalt  }
0x83: {  	_ =	shalt  }
0x84: {  	_ =	shalt  }
0x85: {  	_ =	shalt  }
0x86: {  	_ =	shalt  }
0x87: {  	_ =	shalt  }
.Lfunc_end0:
.L_simem_size_0:
called_computation_lowered:
.L_overlay_start_0:
0x88: {  	s0 =	sld [smem:$0x3FD9]  }
0x89: {  	s1 =	sld [smem:$0x3FFE];
	_ =	sdelay $0x3  }
0x8a: {  	s0 =	sadd.s32 s1, s0  }
0x8b: {  	[smem:$0x3FC6] =	sst s0  }
0x8c: {  	_ = 	snop  }
0x8d: {  	s0 =	sld [smem:$0x3FC9]  }
0x8e: {  	s17 =	sld [smem:$0x3FC8]  }
0x8f: {  	s2 =	sld [smem:$0x3FD0];
	(tm) =	ssettm $0x1  }
0x90: {  	s3 =	sld [smem:$0x3FFB];
	_ =	sdelay $0x3  }
0x91: {  	_ =	strace s3  }
0x92: {  	s3 =	sld [smem:$0x3FFC];
	_ =	sdelay $0x3  }
0x93: {  	_ =	strace s3  }
0x94: {  	s3 =	sld [smem:$0x3FFD];
	_ =	sdelay $0x3  }
0x95: {  	_ =	strace s3  }
0x96: {  	_ =	strace $0x8FFFFFFF  }
0x97: {  	s18 =	sld [smem:$0x3FDB];
	_ =	sdelay $0x1  }
0x98: {  	s4 =	simm.s32 $_scs_section_size  }
0x99: {  	s5 =	simm.s32 $_size__tile_overlayer_lowered;
	s6 =	simm.s32 $_tile_overlayer_lowered  }
0x9a: {  	s21 =	simm.s32 $0x1BFF;
	s20 =	sshll.u32 s6, $0x1;
	s3 =	sadd.s32 s4, s18  }
0x9b: {  	s7 =	simm.s32 $0x0;
	s19 =	sshll.u32 s5, $0x1;
	s5 =	sadd.s32 s20, s3  }
0x9c: {  	[timem:s7], [sflag:s21] =	dma.local [hbm:s5], s19  }
0x9d: {  	_ =	swait.ge [sflag:s21], s19  }
0x9e: {  	s4 =	ssub.s32 $0x0, s19;
	[sflag:s21] =	ssyncset.done $0x0  }
0x9f: {  	[sflag:s21] =	ssyncadd.s32 s4;
	_ =	sdelay $0x1  }
0xa0: {  	s22 =	simm.s32 $0x1B8B  }
0xa1: {  	_ =	swait.ge [sflag:s22], $0x1  }
0xa2: {  	[sflag:s22] =	ssyncset.done $0x0  }
0xa3: {  	s23 =	simm.s32 $0x1B8E;
	[sflag:s22] =	ssyncadd.s32 $0xFFFFFFFF  }
0xa4: {  	s24 =	simm.s32 $execute0_lowered;
	[smem:$0x3FD2] =	sst s23  }
0xa5: {  	s4 =	sshll.u32 s24, $0x1;
	_ =	strace $0x80000046;
	[dreg:$0x1] =	wrdreg $0xFFFFFFFF  }
0xa6: {  	s25 =	simm.s32 $_size_execute0_lowered;
	s3 =	sadd.s32 s3, s4;
	[dreg:$0x0] =	wrdreg $0x0  }
0xa7: {  	s4 =	sshll.u32 s25, $0x1;
	[dreg:$0x2] =	wrdreg s3  }
0xa8: {  	[dreg:$0x3] =	wrdreg s4  }
0xa9: {  	[dreg:$0x4] =	wrdreg $0xC0  }
0xaa: {  	_ =	task [dreg:s7], $0x5FFFF  }
0xab: {  	[dreg:$0x1] =	wrdreg $0xFFFFFFFF  }
0xac: {  	[dreg:$0x0] =	wrdreg $0x60  }
0xad: {  	[dreg:$0x2] =	wrdreg s0  }
0xae: {  	[dreg:$0x3] =	wrdreg s17  }
0xaf: {  	[dreg:$0x4] =	wrdreg s2  }
0xb0: {  	[dreg:$0x5] =	wrdreg $0x9  }
0xb1: {  	_ =	task.clear_ibuf [dreg:s7], $0x6FFFF;
	_ =	strace $0x90000046  }
0xb2: {  	s26 =	simm.s32 $0x9;
	_ =	strace $0x80000048  }
0xb3: {  	_ =	swait.ge [sflag:s26], $0x1  }
0xb4: {  	[sflag:s26] =	ssyncadd.s32 $0xFFFFFFFF  }
0xb5: {  	_ =	strace $0x90000048  }
0xb6: {  	_ =	sfence  }
0xb7: {  	s28 =	sld [smem:$0x0];
	_ =	sdelay $0x1  }
0xb8: {  	s29 =	srdreg.scid  }
0xb9: {  	s30 =	sshll.u32 s29, $0xD;
	s31 =	sshrl.u32 s29, $0x2  }
0xba: {  	s1 =	sand.u32 $0x1, s29;
	s2 =	sand.u32 $0x4000, s30;
	s0 =	sadd.s32 s31, s28  }
0xbb: {  	s1 =	sor.u32 s2, s1;
	s0 =	sshll.u32 s0, $0x11  }
0xbc: {  	s0 =	sor.u32 s0, s1  }
0xbd: {  	s0 =	sadd.s32 $0x8F2B, s0  }
0xbe: {  	[sflag:s0] =	ssyncadd.remote.s32 $0x1  }
0xbf: {  	_ =	sfence.sel $0xFFFF  }
0xc0: {  	[dreg:$0x0] =	wrdreg $0xFFFFFFFF;
	(pc) =	sbr.abs _section_cstart, $3  }
0xc1: {  	[dreg:$0x1] =	wrdreg $0xFFFFFFFF  }
0xc2: {  	_ =	task.clear_ibuf [dreg:s7], $0x2FFFF;
	_ =	strace $0x9FFFFFFF  }
0xc3: {  	(tm) =	ssettm $0x7FFFFFFF  }
tec
execute0_lowered:
.L_overlay_start_1:
0x0: {  	(tag) =	ssettag $0x1  }
0x1: {  	s5 =	rddreg [dreg:$0x0]  }
0x2: {  	s6 =	rddreg [dreg:$0x1]  }
0x3: {  	s2 =	rddreg [dreg:$0x2];
	s4 =	simm.s32 $0x0  }
0x4: {  	s1 =	stileid.u32;
	[smem:$0x7FF] =	sst s4  }
0x5: {  	s0 =	rddreg [dreg:$0x3];
	s3 =	sshll.u32 s1, $0x7;
	_ =	strace $0x80000047  }
0x6: {  	[tilespmem:s4], [sflag:$0x1] =	stream.linear.gather [hbm4b:s6+s4], $0x400, $0x38;
	[tilespmem:$0x800] =	vst v63  }
0x7: {  	s30 =	simm.s32 $0x400;
	s31 =	simm.s32 $0x1;
	s5 =	sadd.s32 s5, s3  }
0x8: {  	[tilespmem:s30], [sflag:$0x1] =	stream.linear.gather [hbm4b:s5+s4], $0x400, $0x38;
	[tilespmem:$0x800] =	vst v63  }
0x9: {  	_ =	swait.ge [sflag:s31], $0x400  }
0xa: {  	[sflag:s31] =	ssyncset.done $0x0  }
0xb: {  	[sflag:s31] =	ssyncadd.s32 $0xFFFFFC00  }
0xc: {  	_ =	swait.ge [sflag:s31], $0x400  }
0xd: {  	[sflag:s31] =	ssyncset.done $0x0  }
0xe: {  	s5 =	simm.s32 $0x440;
	[sflag:s31] =	ssyncadd.s32 $0xFFFFFC00  }
0xf: {  	v0 =	vld [tilespmem:s5+$0x30]  }
0x10: {  	v1 =	vld [tilespmem:s5+$0xFFFFFFD0]  }
0x11: {  	v2 =	vld [tilespmem:s5+$0xFFFFFFE0]  }
0x12: {  	v3 =	vld [tilespmem:s5+$0xFFFFFFF0]  }
0x13: {  	v4 =	vld [tilespmem:s5+$0x0]  }
0x14: {  	v5 =	vld [tilespmem:s5+$0x10]  }
0x15: {  	v7 =	vld [tilespmem:s5+$0xFFFFFFC0];
	_ =	sdelay $0x1  }
0x16: {  	v6 =	vmul.f32 $1.000000000e+03, v0  }
0x17: {  	v8 =	vmul.f32 $1.000000000e+03, v1;
	v9 =	vmul.f32 $1.000000000e+03, v2  }
0x18: {  	v1 =	vld [tilespmem:s5+$0x20];
	v10 =	vmul.f32 $1.000000000e+03, v3;
	v11 =	vmul.f32 $1.000000000e+03, v4  }
0x19: {  	v12 =	vmul.f32 $1.000000000e+03, v5;
	v15 =	vmul.f32 $1.000000000e+03, v7  }
0x1a: {  	v0 =	vtrunc.f32 v6;
	v3 =	vtrunc.f32 v8  }
0x1b: {  	v13 =	vtrunc.f32 v9;
	v2 =	vcvt.f32.s32 v0  }
0x1c: {  	v16 =	vtrunc.f32 v11;
	v17 =	vtrunc.f32 v12  }
0x1d: {  	v4 =	vcvt.s32.f32 v2;
	v14 =	vmul.f32 $1.000000000e+03, v1;
	v5 =	vand.u32 $0x1, v2  }
0x1e: {  	v1 =	vtrunc.f32 v10;
	vm1 =	veq.s32 v5, $0x1;
	v5 =	vcvt.f32.s32 v3  }
0x1f: {  	v3 =	vcvt.f32.s32 v16;
	v4 =	vsub.f32 v6, v4;
	v6 =	vtrunc.f32 v15  }
0x20: {  	v0 =	vimm.s32 $0x0;
	v18 =	vtrunc.f32 v14;
	v7 =	vcvt.f32.s32 v6  }
0x21: {  	v6 =	vcvt.f32.s32 v13;
	v58 =	vcvt.s32.f32 v5;
	v19 =	vand.u32 $0x1, v5  }
0x22: {  	v21 =	vcvt.s32.f32 v3;
	v61 =	vand.u32 $0x1, v3;
	vm0 =	veq.f32 v4, $5.000000000e-01  }
0x23: {  	vm2 =	vgt.f32 v4, $5.000000000e-01;
	v4 =	vcvt.f32.s32 v1;
	v1 =	vcvt.f32.s32 v17  }
0x24: {  	vm5 =	veq.s32 v19, $0x1;
	vm12 =	veq.s32 v61, $0x1;
	vm0 =	vmand vm0, vm1  }
0x25: {  	v56 =	vcvt.s32.f32 v7;
	v57 =	vand.u32 $0x1, v7;
	v20 =	vcvt.s32.f32 v6  }
0x26: {  	v23 =	vand.u32 $0x1, v6;
	v11 =	vsub.f32 v11, v21;
	vm0 =	vmor vm2, vm0  }
0x27: {  	v59 =	vcvt.s32.f32 v4;
	v60 =	vand.u32 $0x1, v4;
	v62 =	vand.u32 $0x1, v1  }
0x28: {  	vm4 =	veq.s32 v57, $0x1;
	vm10 =	veq.s32 v23, $0x1;
	v55 =	vsel vm0, $0x1, v0  }
0x29: {  	v15 =	vsub.f32 v15, v56;
	v20 =	vsub.f32 v9, v20;
	v13 =	vadd.s32 v2, v55  }
0x2a: {  	vm7 =	veq.f32 v11, $5.000000000e-01;
	vm11 =	veq.s32 v60, $0x1;
	vm13 =	veq.s32 v62, $0x1  }
0x2b: {  	v2 =	vcvt.f32.s32 v18;
	v18 =	vsub.f32 v8, v58;
	v8 =	vcvt.s32.f32 v1  }
0x2c: {  	v10 =	vsub.f32 v10, v59;
	vm0 =	veq.f32 v15, $5.000000000e-01;
	vm2 =	veq.f32 v20, $5.000000000e-01  }
0x2d: {  	v22 =	vcvt.s32.f32 v2;
	v8 =	vsub.f32 v12, v8;
	vm1 =	veq.f32 v18, $5.000000000e-01  }
0x2e: {  	v63 =	vand.u32 $0x1, v2;
	vm3 =	veq.f32 v10, $5.000000000e-01;
	vm6 =	vmand vm0, vm4;
	v13 =	vld.idx.msk [tilespmem:v13+s4+$0x0], $0xffff  }
0x2f: {  	vm4 =	vmand vm2, vm10;
	vm10 =	vgt.f32 v20, $5.000000000e-01;
	vm14 =	veq.s32 v63, $0x1  }
0x30: {  	vm5 =	vmand vm1, vm5;
	vm3 =	vmand vm3, vm11;
	v9 =	vsub.f32 v14, v22  }
0x31: {  	vm1 =	vmand vm7, vm12;
	vm11 =	vgt.f32 v15, $5.000000000e-01;
	vm8 =	veq.f32 v8, $5.000000000e-01  }
0x32: {  	vm7 =	vgt.f32 v11, $5.000000000e-01;
	vm0 =	vmand vm8, vm13;
	vm9 =	veq.f32 v9, $5.000000000e-01  }
0x33: {  	s7 =	simm.s32 $0x4C0;
	s6 =	simm.s32 $0x0;
	vm8 =	vgt.f32 v18, $5.000000000e-01;
	vm2 =	vmand vm9, vm14;
	vm9 =	vgt.f32 v10, $5.000000000e-01;
	[tilespmem:s5+$0x30] =	vst v13  }
.LBB2_1:
0x34: {  	v10 =	vld [tilespmem:s7+$0x30];
	s6 =	sadd.s32 $0x80, s6;
	vm6 =	vmor vm11, vm6;
	vm11 =	vgt.f32 v8, $5.000000000e-01;
	vm12 =	vgt.f32 v9, $5.000000000e-01  }
0x35: {  	vm5 =	vmor vm8, vm5;
	vm4 =	vmor vm10, vm4;
	vm3 =	vmor vm9, vm3;
	v8 =	vld [tilespmem:s7+$0xFFFFFFD0];
	p0 =	slt.u32 s6, $0x380  }
0x36: {  	vm1 =	vmor vm7, vm1;
	vm0 =	vmor vm11, vm0;
	vm2 =	vmor vm12, vm2;
	v9 =	vld [tilespmem:s7+$0xFFFFFFE0]  }
0x37: {  	v12 =	vsel vm6, $0x1, v0;
	v13 =	vsel vm5, $0x1, v0;
	v14 =	vsel vm4, $0x1, v0;
	v11 =	vld [tilespmem:s7+$0xFFFFFFF0]  }
0x38: {  	v16 =	vsel vm3, $0x1, v0;
	v17 =	vsel vm1, $0x1, v0;
	v18 =	vsel vm0, $0x1, v0;
	v15 =	vld [tilespmem:s7+$0x0]  }
0x39: {  	v7 =	vadd.s32 v7, v12;
	v12 =	vsel vm2, $0x1, v0;
	v19 =	vld [tilespmem:s7+$0x10];
	v10 =	vmul.f32 $1.000000000e+03, v10  }
0x3a: {  	v5 =	vadd.s32 v5, v13;
	v6 =	vadd.s32 v6, v14;
	v8 =	vmul.f32 $1.000000000e+03, v8;
	v20 =	vld [tilespmem:s7+$0x20]  }
0x3b: {  	v4 =	vadd.s32 v4, v16;
	v13 =	vld [tilespmem:s7+$0xFFFFFFC0];
	v9 =	vmul.f32 $1.000000000e+03, v9;
	v14 =	vtrunc.f32 v10  }
0x3c: {  	v3 =	vadd.s32 v3, v17;
	v11 =	vmul.f32 $1.000000000e+03, v11;
	v14 =	vcvt.f32.s32 v14  }
0x3d: {  	v1 =	vadd.s32 v1, v18;
	v16 =	vtrunc.f32 v8;
	v15 =	vmul.f32 $1.000000000e+03, v15  }
0x3e: {  	v2 =	vadd.s32 v2, v12;
	v17 =	vmul.f32 $1.000000000e+03, v19;
	v18 =	vcvt.s32.f32 v14;
	v19 =	vld.idx.msk [tilespmem:v7+s4+$0x0], $0xffff  }
0x3f: {  	v12 =	vtrunc.f32 v9;
	v20 =	vmul.f32 $1.000000000e+03, v20;
	v21 =	vld.idx.msk [tilespmem:v5+s4+$0x0], $0xffff  }
0x40: {  	v22 =	vtrunc.f32 v11;
	v13 =	vmul.f32 $1.000000000e+03, v13;
	v5 =	vsub.f32 v10, v18;
	v10 =	vld.idx.msk [tilespmem:v6+s4+$0x0], $0xffff  }
0x41: {  	v18 =	vtrunc.f32 v15;
	v23 =	vtrunc.f32 v17;
	v6 =	vand.u32 $0x1, v14;
	v24 =	vld.idx.msk [tilespmem:v4+s4+$0x0], $0xffff  }
0x42: {  	vm1 =	veq.s32 v6, $0x1;
	v4 =	vtrunc.f32 v13;
	vm0 =	veq.f32 v5, $5.000000000e-01;
	v25 =	vld.idx.msk [tilespmem:v3+s4+$0x0], $0xffff  }
0x43: {  	v26 =	vtrunc.f32 v20;
	vm2 =	vgt.f32 v5, $5.000000000e-01;
	vm0 =	vmand vm0, vm1;
	v27 =	vld.idx.msk [tilespmem:v1+s4+$0x0], $0xffff  }
0x44: {  	v5 =	vcvt.f32.s32 v16;
	v7 =	vcvt.f32.s32 v4;
	vm0 =	vmor vm2, vm0;
	[tilespmem:s5+$0xFFFFFFC0] =	vst v19;
	v16 =	vld.idx.msk [tilespmem:v2+s4+$0x0], $0xffff  }
0x45: {  	v6 =	vcvt.f32.s32 v12;
	v4 =	vcvt.f32.s32 v22;
	v2 =	vsel vm0, $0x1, v0;
	[tilespmem:s5+$0xFFFFFFD0] =	vst v21  }
0x46: {  	v3 =	vcvt.f32.s32 v18;
	v1 =	vcvt.f32.s32 v23;
	v12 =	vadd.s32 v14, v2;
	[tilespmem:s5+$0xFFFFFFE0] =	vst v10  }
0x47: {  	v10 =	vcvt.s32.f32 v7;
	v14 =	vand.u32 $0x1, v7;
	v2 =	vcvt.f32.s32 v26;
	[tilespmem:s5+$0xFFFFFFF0] =	vst v24  }
0x48: {  	v18 =	vcvt.s32.f32 v5;
	v19 =	vand.u32 $0x1, v5;
	v21 =	vcvt.s32.f32 v6;
	[tilespmem:s5+$0x0] =	vst v25  }
0x49: {  	v22 =	vcvt.s32.f32 v3;
	v10 =	vsub.f32 v13, v10;
	v13 =	vcvt.s32.f32 v4;
	[tilespmem:s5+$0x10] =	vst v27  }
0x4a: {  	v18 =	vsub.f32 v8, v18;
	v8 =	vcvt.s32.f32 v1;
	v23 =	vcvt.s32.f32 v2;
	[tilespmem:s5+$0x20] =	vst v16;
	s5 =	smov.u32 s7  }
0x4b: {  	v16 =	vsub.f32 v9, v21;
	v21 =	vand.u32 $0x1, v6;
	v11 =	vsub.f32 v11, v13;
	v12 =	vld.idx.msk [tilespmem:v12+s4+$0x0], $0xffff  }
0x4c: {  	v15 =	vsub.f32 v15, v22;
	v8 =	vsub.f32 v17, v8;
	v13 =	vand.u32 $0x1, v4  }
0x4d: {  	v22 =	vand.u32 $0x1, v1;
	v17 =	vand.u32 $0x1, v3;
	v9 =	vsub.f32 v20, v23  }
0x4e: {  	vm1 =	veq.f32 v18, $5.000000000e-01;
	vm0 =	veq.f32 v10, $5.000000000e-01;
	v20 =	vand.u32 $0x1, v2  }
0x4f: {  	vm7 =	veq.f32 v15, $5.000000000e-01;
	vm2 =	veq.f32 v16, $5.000000000e-01;
	vm3 =	veq.f32 v11, $5.000000000e-01  }
0x50: {  	vm4 =	veq.s32 v14, $0x1;
	vm8 =	veq.f32 v8, $5.000000000e-01;
	vm9 =	veq.f32 v9, $5.000000000e-01  }
0x51: {  	vm5 =	veq.s32 v19, $0x1;
	vm10 =	veq.s32 v21, $0x1;
	vm11 =	veq.s32 v13, $0x1;
	[tilespmem:s7+$0x30] =	vst v12  }
.Ltmp0:
0x52: {  	vm13 =	veq.s32 v22, $0x1;
	vm12 =	veq.s32 v17, $0x1;
	vm14 =	veq.s32 v20, $0x1;
	(pc) =	sbr.rel @p0 .LBB2_1-.Ltmp0, $4  }
0x53: {  	vm5 =	vmand vm1, vm5;
	vm6 =	vmand vm0, vm4;
	vm4 =	vmand vm2, vm10  }
0x54: {  	vm1 =	vmand vm7, vm12;
	vm0 =	vmand vm8, vm13;
	vm3 =	vmand vm3, vm11  }
0x55: {  	vm8 =	vgt.f32 v18, $5.000000000e-01;
	vm11 =	vgt.f32 v10, $5.000000000e-01;
	vm2 =	vmand vm9, vm14  }
0x56: {  	vm7 =	vgt.f32 v15, $5.000000000e-01;
	vm10 =	vgt.f32 v16, $5.000000000e-01;
	vm9 =	vgt.f32 v11, $5.000000000e-01;
	s7 =	sadd.s32 $0x80, s7  }
0x57: {  	vm6 =	vmor vm11, vm6;
	vm11 =	vgt.f32 v8, $5.000000000e-01  }
0x58: {  	vm12 =	vgt.f32 v9, $5.000000000e-01;
	vm5 =	vmor vm8, vm5;
	v55 =	vsel vm6, $0x1, v0  }
0x59: {  	vm4 =	vmor vm10, vm4;
	v56 =	vsel vm5, $0x1, v0;
	v7 =	vadd.s32 v7, v55  }
0x5a: {  	vm3 =	vmor vm9, vm3;
	v57 =	vsel vm4, $0x1, v0;
	v5 =	vadd.s32 v5, v56  }
0x5b: {  	vm1 =	vmor vm7, vm1;
	v58 =	vsel vm3, $0x1, v0;
	v6 =	vadd.s32 v6, v57  }
0x5c: {  	vm0 =	vmor vm11, vm0;
	v59 =	vsel vm1, $0x1, v0;
	v4 =	vadd.s32 v4, v58  }
0x5d: {  	vm15 =	vmor vm12, vm2;
	v60 =	vsel vm0, $0x1, v0;
	v3 =	vadd.s32 v3, v59  }
0x5e: {  	v61 =	vsel vm15, $0x1, v0;
	v1 =	vadd.s32 v1, v60;
	v7 =	vld.idx.msk [tilespmem:v7+s4+$0x0], $0xffff  }
0x5f: {  	v0 =	vadd.s32 v2, v61;
	v62 =	vld.idx.msk [tilespmem:v5+s4+$0x0], $0xffff  }
0x60: {  	v63 =	vld.idx.msk [tilespmem:v6+s4+$0x0], $0xffff  }
0x61: {  	v4 =	vld.idx.msk [tilespmem:v4+s4+$0x0], $0xffff  }
0x62: {  	v3 =	vld.idx.msk [tilespmem:v3+s4+$0x0], $0xffff  }
0x63: {  	v1 =	vld.idx.msk [tilespmem:v1+s4+$0x0], $0xffff;
	[tilespmem:s5+$0xFFFFFFC0] =	vst v7  }
0x64: {  	v0 =	vld.idx.msk [tilespmem:v0+s4+$0x0], $0xffff;
	[tilespmem:s5+$0xFFFFFFD0] =	vst v62  }
0x65: {  	[tilespmem:s5+$0xFFFFFFE0] =	vst v63  }
0x66: {  	[tilespmem:s5+$0xFFFFFFF0] =	vst v4  }
0x67: {  	[tilespmem:s5+$0x0] =	vst v3  }
0x68: {  	s2 =	sadd.s32 s2, s3;
	[tilespmem:s5+$0x10] =	vst v1  }
0x69: {  	s29 =	simm.s32 $0x0;
	s30 =	simm.s32 $0x400;
	s31 =	simm.s32 $0x2;
	[tilespmem:s5+$0x20] =	vst v0  }
0x6a: {  	[hbm4b:s2+s29] =	stream.linear.scatter [tilespmem:s30], [sflag:$0x2], $0x400, $0x38;
	[tilespmem:$0x800] =	vst v63  }
0x6b: {  	_ =	swait.ge [sflag:s31], $0x400  }
0x6c: {  	[sflag:s31] =	ssyncset.done $0x0  }
0x6d: {  	[sflag:s31] =	ssyncadd.s32 $0xFFFFFC00  }
0x6e: {  	_ =	sfence.sel $0x180000  }
0x6f: {  	[bflag:$0x0] =	sbarrier.arrive $0xFFFF  }
0x70: {  	p0 =	sne.s32 s1, $0x0;
	_ =	strace $0x90000047  }
0x71: {  	s0 =	sadd.s32 @!p0 $0x100000, s0;
	[bflag:$0x2] =	sbarrier.arrive $0xFFFF  }
0x72: {  	[sflag:s0] =	ssyncadd.tile.s32 @!p0 $0x1;
	_ =	shalt  }
.Lfunc_end2:
_tile_overlayer_lowered:
.L_overlay_start_2:
0x73: {  	(tag) =	ssettag $0x2  }
0x74: {  	s0 =	rddreg [dreg:$0x0];
	s2 =	stileid.u32  }
0x75: {  	s1 =	rddreg [dreg:$0x1];
	p0 =	sne.s32 s2, $0x0  }
0x76: {  	s3 =	rddreg [dreg:$0x2];
	[bflag:$0x3] =	sbarrier.arrive $0xFFFF;
	s2 =	simm.s32 @!p0 $0x1C02  }
0x77: {  	[timem:s3], [sflag:s2] =	dma.local @!p0 [hbm:s0], s1  }
0x78: {  	s0 =	simm.s32 @!p0 $0x2  }
0x79: {  	_ =	swait.ge @!p0 [sflag:s0], s1  }
0x7a: {  	s1 =	ssub.s32 @!p0 $0x0, s1;
	[sflag:s0] =	ssyncset.done @!p0 $0x0  }
0x7b: {  	[sflag:s0] =	ssyncadd.s32 @!p0 s1  }
0x7c: {  	[bflag:$0x3] =	sbarrier.arrive $0xFFFF  }
0x7d: {  	_ =	shalt  }

</sc_bundles>
